<compile_context>
chip_gen: v7x
topology: tpu7x:2x2x1
jax: 0.10.2.dev20260603
libtpu: 0.0.44.dev20260713+nightly
codegen_flags: <defaults>
</compile_context>

<pallas_src>
import jax
import jax.numpy as jnp
from jax.experimental import pallas as pl

B = 32
NA = 3
C85 = 85
G = 76
S = G * G
STRIDE = 8.0
AW = (10.0, 16.0, 33.0)
AH = (13.0, 30.0, 23.0)


def _tc_body(x_ref, o_ref):
    v = x_ref[0]
    sig = jax.nn.sigmoid(v)
    ki = jax.lax.broadcasted_iota(jnp.int32, (1, S), 1)
    gx = jnp.mod(ki, G).astype(jnp.float32)
    gy = (ki // G).astype(jnp.float32)
    rows = []
    for a in range(NA):
        o = a * C85
        ex = jnp.exp(v[o + 2 : o + 4])
        rows += [
            (sig[o : o + 1] + gx) * STRIDE,
            (sig[o + 1 : o + 2] + gy) * STRIDE,
            ex[0:1] * AW[a],
            ex[1:2] * AH[a],
            sig[o + 4 : o + C85],
        ]
    act = jnp.concatenate(rows, axis=0)
    o_ref[0] = act.T


def kernel(x):
    x3 = x.reshape(B, NA * C85, S)
    out = pl.pallas_call(
        _tc_body,
        grid=(B,),
        in_specs=[pl.BlockSpec((1, NA * C85, S), lambda b: (b, 0, 0))],
        out_specs=pl.BlockSpec((1, S, NA * C85), lambda b: (b, 0, 0)),
        out_shape=jax.ShapeDtypeStruct((B, S, NA * C85), jnp.float32),
    )(x3)
    return out.reshape(B, S * NA, C85), 0.0

# --- scband reference (transcript-rebuilt; emitter-appended) ---
"""Pipeline reference for scband-yolodet-layer-71743133712655 (READ-ONLY COPY).

The authoritative reference and input builder live on the scoring server;
editing this copy changes nothing except your own understanding.
"""

import jax, jax.numpy as jnp
import numpy as np

ANCHORS = [[10.0, 13.0], [16.0, 30.0], [33.0, 23.0]]
NUM_CLASSES = 80
IMG_SIZE = 608


def setup_inputs(seed: int = 0) -> dict:
    key = jax.random.key(seed)
    x = jax.random.normal(key, (32, 255, 76, 76), dtype=jnp.float32)
    return {"x": x}


def _forward(x):
    B = x.shape[0]
    g = x.shape[2]
    nA = len(ANCHORS)
    nC = NUM_CLASSES
    stride = IMG_SIZE / g
    scaled_anchors = jnp.array(ANCHORS, dtype=jnp.float32) / IMG_SIZE * g
    # prediction: (B, g, g, nA, nC+5)
    pred = x.reshape(B, nA, nC + 5, g, g).transpose(0, 3, 4, 1, 2)
    pred_obj_conf = jax.nn.sigmoid(pred[..., 4])
    pred_class = jax.nn.sigmoid(pred[..., 5:])
    # grid offsets: grid_coord_x[i, j] = j, grid_coord_y[i, j] = i
    gx = jnp.tile(jnp.arange(g, dtype=jnp.float32), (g, 1)).reshape(1, g, g, 1)
    gy = jnp.tile(jnp.arange(g, dtype=jnp.float32), (g, 1)).T.reshape(1, g, g, 1)
    bx = jax.nn.sigmoid(pred[..., 0]) + gx
    by = jax.nn.sigmoid(pred[..., 1]) + gy
    bw = jnp.exp(pred[..., 2]) * scaled_anchors[:, 0].reshape(1, 1, 1, nA)
    bh = jnp.exp(pred[..., 3]) * scaled_anchors[:, 1].reshape(1, 1, 1, nA)
    pred_boxes = jnp.stack([bx, by, bw, bh], axis=-1)
    outputs = jnp.concatenate(
        [
            pred_boxes.reshape(B, -1, 4) * stride,
            pred_obj_conf.reshape(B, -1, 1),
            pred_class.reshape(B, -1, nC),
        ],
        axis=-1,
    )
    return outputs


def reference(x):
    return (_forward(x), 0.0)

if __name__ == "__main__":
    import jax
    _d = setup_inputs()
    print(jax.jit(kernel)(*tuple(_d.values())))

</pallas_src>

<mosaic_0001>
module attributes {stable_mosaic.version = 14 : i64} {
  func.func @_tc_body(%arg0: i32, %arg1: memref<1x255x5776xf32, #tpu.memory_space<vmem>>, %arg2: memref<1x5776x255xf32, #tpu.memory_space<vmem>>) attributes {dimension_semantics = [#tpu.dimension_semantics<arbitrary>], iteration_bounds = array<i64: 32>, scalar_prefetch = 0 : i64, scratch_operands = 0 : i64, tpu.core_type = #tpu.core_type<tc>, window_params = [{transform_indices = @transform_0, window_bounds = array<i64: 1, 255, 5776>}, {transform_indices = @transform_1, window_bounds = array<i64: 1, 5776, 255>}]} {
    %get3A = arith.constant 0 : index
    %get3A_0 = arith.constant 0 : index
    %get3A_1 = arith.constant 0 : index
    %get3A_2 = vector.load %arg1[%get3A, %get3A_0, %get3A_1] : memref<1x255x5776xf32, #tpu.memory_space<vmem>>, vector<1x255x5776xf32>
    %get3A_3 = vector.shape_cast %get3A_2 : vector<1x255x5776xf32> to vector<255x5776xf32>
    %logistic3A = arith.negf %get3A_3 : vector<255x5776xf32>
    %logistic3A_4 = math.exp %logistic3A : vector<255x5776xf32>
    %logistic3A_5 = arith.constant 1.000000e+00 : f32
    %logistic3A_6 = vector.broadcast %logistic3A_5 : f32 to vector<255x5776xf32>
    %logistic3A_7 = arith.addf %logistic3A_6, %logistic3A_4 : vector<255x5776xf32>
    %logistic3A_8 = arith.divf %logistic3A_6, %logistic3A_7 : vector<255x5776xf32>
    %iota3A = tpu.iota {dimensions = array<i32: 1>} : vector<1x5776xi32>
    %jit3A = arith.constant 76 : i32
    %eq3A = arith.constant 0 : i32
    %eq3A_9 = arith.cmpi eq, %jit3A, %eq3A : i32
    %jit3A_10 = arith.constant 1 : i32
    %select_n3A = arith.select %eq3A_9, %jit3A_10, %jit3A : i32
    %rem3A = vector.broadcast %select_n3A : i32 to vector<1x5776xi32>
    %rem3A_11 = arith.remsi %iota3A, %rem3A : vector<1x5776xi32>
    %ne3A = arith.constant 0 : i32
    %ne3A_12 = vector.broadcast %ne3A : i32 to vector<1x5776xi32>
    %ne3A_13 = arith.cmpi ne, %rem3A_11, %ne3A_12 : vector<1x5776xi32>
    %lt3A = arith.constant 0 : i32
    %lt3A_14 = vector.broadcast %lt3A : i32 to vector<1x5776xi32>
    %lt3A_15 = arith.cmpi slt, %rem3A_11, %lt3A_14 : vector<1x5776xi32>
    %lt3A_16 = arith.constant 0 : i32
    %lt3A_17 = arith.cmpi slt, %select_n3A, %lt3A_16 : i32
    %ne3A_18 = vector.broadcast %lt3A_17 : i1 to vector<1x5776xi1>
    %ne3A_19 = vector.broadcast %ne3A_18 : vector<1x5776xi1> to vector<1x5776xi1>
    %ne3A_20 = arith.xori %lt3A_15, %ne3A_19 : vector<1x5776xi1>
    %and3A = arith.andi %ne3A_20, %ne3A_13 : vector<1x5776xi1>
    %add3A = vector.broadcast %select_n3A : i32 to vector<1x5776xi32>
    %add3A_21 = arith.addi %rem3A_11, %add3A : vector<1x5776xi32>
    %select_n3A_22 = arith.select %and3A, %add3A_21, %rem3A_11 : vector<1x5776xi1>, vector<1x5776xi32>
    %convert_element_type3A = arith.sitofp %select_n3A_22 : vector<1x5776xi32> to vector<1x5776xf32>
    %jit3A_23 = arith.constant 76 : i32
    %div3A = vector.broadcast %jit3A_23 : i32 to vector<1x5776xi32>
    %div3A_24 = arith.divsi %iota3A, %div3A : vector<1x5776xi32>
    %sign3A = arith.constant 0 : i32
    %sign3A_25 = vector.broadcast %sign3A : i32 to vector<1x5776xi32>
    %sign3A_26 = arith.cmpi sgt, %iota3A, %sign3A_25 : vector<1x5776xi32>
    %sign3A_27 = arith.extui %sign3A_26 : vector<1x5776xi1> to vector<1x5776xi32>
    %sign3A_28 = arith.constant 0 : i32
    %sign3A_29 = vector.broadcast %sign3A_28 : i32 to vector<1x5776xi32>
    %sign3A_30 = arith.cmpi slt, %iota3A, %sign3A_29 : vector<1x5776xi32>
    %sign3A_31 = arith.extui %sign3A_30 : vector<1x5776xi1> to vector<1x5776xi32>
    %sign3A_32 = arith.subi %sign3A_27, %sign3A_31 : vector<1x5776xi32>
    %sign3A_33 = arith.constant 0 : i32
    %sign3A_34 = arith.cmpi sgt, %jit3A_23, %sign3A_33 : i32
    %sign3A_35 = arith.extui %sign3A_34 : i1 to i32
    %sign3A_36 = arith.constant 0 : i32
    %sign3A_37 = arith.cmpi slt, %jit3A_23, %sign3A_36 : i32
    %sign3A_38 = arith.extui %sign3A_37 : i1 to i32
    %sign3A_39 = arith.subi %sign3A_35, %sign3A_38 : i32
    %ne3A_40 = vector.broadcast %sign3A_39 : i32 to vector<1x5776xi32>
    %ne3A_41 = arith.cmpi ne, %sign3A_32, %ne3A_40 : vector<1x5776xi32>
    %rem3A_42 = vector.broadcast %jit3A_23 : i32 to vector<1x5776xi32>
    %rem3A_43 = arith.remsi %iota3A, %rem3A_42 : vector<1x5776xi32>
    %ne3A_44 = arith.constant 0 : i32
    %ne3A_45 = vector.broadcast %ne3A_44 : i32 to vector<1x5776xi32>
    %ne3A_46 = arith.cmpi ne, %rem3A_43, %ne3A_45 : vector<1x5776xi32>
    %and3A_47 = arith.andi %ne3A_41, %ne3A_46 : vector<1x5776xi1>
    %sub3A = arith.constant 1 : i32
    %sub3A_48 = vector.broadcast %sub3A : i32 to vector<1x5776xi32>
    %sub3A_49 = arith.subi %div3A_24, %sub3A_48 : vector<1x5776xi32>
    %select_n3A_50 = arith.select %and3A_47, %sub3A_49, %div3A_24 : vector<1x5776xi1>, vector<1x5776xi32>
    %convert_element_type3A_51 = arith.sitofp %select_n3A_50 : vector<1x5776xi32> to vector<1x5776xf32>
    %slice3A = vector.extract_strided_slice %get3A_3 {offsets = [2, 0], sizes = [2, 5776], strides = [1, 1]} : vector<255x5776xf32> to vector<2x5776xf32>
    %exp3A = math.exp %slice3A : vector<2x5776xf32>
    %slice3A_52 = vector.extract_strided_slice %logistic3A_8 {offsets = [0, 0], sizes = [1, 5776], strides = [1, 1]} : vector<255x5776xf32> to vector<1x5776xf32>
    %add3A_53 = arith.addf %slice3A_52, %convert_element_type3A : vector<1x5776xf32>
    %mul3A = arith.constant 8.000000e+00 : f32
    %mul3A_54 = vector.broadcast %mul3A : f32 to vector<1x5776xf32>
    %mul3A_55 = arith.mulf %add3A_53, %mul3A_54 : vector<1x5776xf32>
    %slice3A_56 = vector.extract_strided_slice %logistic3A_8 {offsets = [1, 0], sizes = [1, 5776], strides = [1, 1]} : vector<255x5776xf32> to vector<1x5776xf32>
    %add3A_57 = arith.addf %slice3A_56, %convert_element_type3A_51 : vector<1x5776xf32>
    %mul3A_58 = arith.constant 8.000000e+00 : f32
    %mul3A_59 = vector.broadcast %mul3A_58 : f32 to vector<1x5776xf32>
    %mul3A_60 = arith.mulf %add3A_57, %mul3A_59 : vector<1x5776xf32>
    %slice3A_61 = vector.extract_strided_slice %exp3A {offsets = [0, 0], sizes = [1, 5776], strides = [1, 1]} : vector<2x5776xf32> to vector<1x5776xf32>
    %mul3A_62 = arith.constant 1.000000e+01 : f32
    %mul3A_63 = vector.broadcast %mul3A_62 : f32 to vector<1x5776xf32>
    %mul3A_64 = arith.mulf %slice3A_61, %mul3A_63 : vector<1x5776xf32>
    %slice3A_65 = vector.extract_strided_slice %exp3A {offsets = [1, 0], sizes = [1, 5776], strides = [1, 1]} : vector<2x5776xf32> to vector<1x5776xf32>
    %mul3A_66 = arith.constant 1.300000e+01 : f32
    %mul3A_67 = vector.broadcast %mul3A_66 : f32 to vector<1x5776xf32>
    %mul3A_68 = arith.mulf %slice3A_65, %mul3A_67 : vector<1x5776xf32>
    %slice3A_69 = vector.extract_strided_slice %logistic3A_8 {offsets = [4, 0], sizes = [81, 5776], strides = [1, 1]} : vector<255x5776xf32> to vector<81x5776xf32>
    %slice3A_70 = vector.extract_strided_slice %get3A_3 {offsets = [87, 0], sizes = [2, 5776], strides = [1, 1]} : vector<255x5776xf32> to vector<2x5776xf32>
    %exp3A_71 = math.exp %slice3A_70 : vector<2x5776xf32>
    %slice3A_72 = vector.extract_strided_slice %logistic3A_8 {offsets = [85, 0], sizes = [1, 5776], strides = [1, 1]} : vector<255x5776xf32> to vector<1x5776xf32>
    %add3A_73 = arith.addf %slice3A_72, %convert_element_type3A : vector<1x5776xf32>
    %mul3A_74 = arith.constant 8.000000e+00 : f32
    %mul3A_75 = vector.broadcast %mul3A_74 : f32 to vector<1x5776xf32>
    %mul3A_76 = arith.mulf %add3A_73, %mul3A_75 : vector<1x5776xf32>
    %slice3A_77 = vector.extract_strided_slice %logistic3A_8 {offsets = [86, 0], sizes = [1, 5776], strides = [1, 1]} : vector<255x5776xf32> to vector<1x5776xf32>
    %add3A_78 = arith.addf %slice3A_77, %convert_element_type3A_51 : vector<1x5776xf32>
    %mul3A_79 = arith.constant 8.000000e+00 : f32
    %mul3A_80 = vector.broadcast %mul3A_79 : f32 to vector<1x5776xf32>
    %mul3A_81 = arith.mulf %add3A_78, %mul3A_80 : vector<1x5776xf32>
    %slice3A_82 = vector.extract_strided_slice %exp3A_71 {offsets = [0, 0], sizes = [1, 5776], strides = [1, 1]} : vector<2x5776xf32> to vector<1x5776xf32>
    %mul3A_83 = arith.constant 1.600000e+01 : f32
    %mul3A_84 = vector.broadcast %mul3A_83 : f32 to vector<1x5776xf32>
    %mul3A_85 = arith.mulf %slice3A_82, %mul3A_84 : vector<1x5776xf32>
    %slice3A_86 = vector.extract_strided_slice %exp3A_71 {offsets = [1, 0], sizes = [1, 5776], strides = [1, 1]} : vector<2x5776xf32> to vector<1x5776xf32>
    %mul3A_87 = arith.constant 3.000000e+01 : f32
    %mul3A_88 = vector.broadcast %mul3A_87 : f32 to vector<1x5776xf32>
    %mul3A_89 = arith.mulf %slice3A_86, %mul3A_88 : vector<1x5776xf32>
    %slice3A_90 = vector.extract_strided_slice %logistic3A_8 {offsets = [89, 0], sizes = [81, 5776], strides = [1, 1]} : vector<255x5776xf32> to vector<81x5776xf32>
    %slice3A_91 = vector.extract_strided_slice %get3A_3 {offsets = [172, 0], sizes = [2, 5776], strides = [1, 1]} : vector<255x5776xf32> to vector<2x5776xf32>
    %exp3A_92 = math.exp %slice3A_91 : vector<2x5776xf32>
    %slice3A_93 = vector.extract_strided_slice %logistic3A_8 {offsets = [170, 0], sizes = [1, 5776], strides = [1, 1]} : vector<255x5776xf32> to vector<1x5776xf32>
    %add3A_94 = arith.addf %slice3A_93, %convert_element_type3A : vector<1x5776xf32>
    %mul3A_95 = arith.constant 8.000000e+00 : f32
    %mul3A_96 = vector.broadcast %mul3A_95 : f32 to vector<1x5776xf32>
    %mul3A_97 = arith.mulf %add3A_94, %mul3A_96 : vector<1x5776xf32>
    %slice3A_98 = vector.extract_strided_slice %logistic3A_8 {offsets = [171, 0], sizes = [1, 5776], strides = [1, 1]} : vector<255x5776xf32> to vector<1x5776xf32>
    %add3A_99 = arith.addf %slice3A_98, %convert_element_type3A_51 : vector<1x5776xf32>
    %mul3A_100 = arith.constant 8.000000e+00 : f32
    %mul3A_101 = vector.broadcast %mul3A_100 : f32 to vector<1x5776xf32>
    %mul3A_102 = arith.mulf %add3A_99, %mul3A_101 : vector<1x5776xf32>
    %slice3A_103 = vector.extract_strided_slice %exp3A_92 {offsets = [0, 0], sizes = [1, 5776], strides = [1, 1]} : vector<2x5776xf32> to vector<1x5776xf32>
    %mul3A_104 = arith.constant 3.300000e+01 : f32
    %mul3A_105 = vector.broadcast %mul3A_104 : f32 to vector<1x5776xf32>
    %mul3A_106 = arith.mulf %slice3A_103, %mul3A_105 : vector<1x5776xf32>
    %slice3A_107 = vector.extract_strided_slice %exp3A_92 {offsets = [1, 0], sizes = [1, 5776], strides = [1, 1]} : vector<2x5776xf32> to vector<1x5776xf32>
    %mul3A_108 = arith.constant 2.300000e+01 : f32
    %mul3A_109 = vector.broadcast %mul3A_108 : f32 to vector<1x5776xf32>
    %mul3A_110 = arith.mulf %slice3A_107, %mul3A_109 : vector<1x5776xf32>
    %slice3A_111 = vector.extract_strided_slice %logistic3A_8 {offsets = [174, 0], sizes = [81, 5776], strides = [1, 1]} : vector<255x5776xf32> to vector<81x5776xf32>
    %concatenate3A = tpu.concatenate %mul3A_55, %mul3A_60, %mul3A_64, %mul3A_68, %slice3A_69, %mul3A_76, %mul3A_81, %mul3A_85, %mul3A_89, %slice3A_90, %mul3A_97, %mul3A_102, %mul3A_106, %mul3A_110, %slice3A_111 in 0 : vector<1x5776xf32>, vector<1x5776xf32>, vector<1x5776xf32>, vector<1x5776xf32>, vector<81x5776xf32>, vector<1x5776xf32>, vector<1x5776xf32>, vector<1x5776xf32>, vector<1x5776xf32>, vector<81x5776xf32>, vector<1x5776xf32>, vector<1x5776xf32>, vector<1x5776xf32>, vector<1x5776xf32>, vector<81x5776xf32> -> vector<255x5776xf32>
    %transpose3A = tpu.transpose %concatenate3A, [1, 0] : vector<255x5776xf32> -> vector<5776x255xf32>
    %swap3A = arith.constant 0 : index
    %swap3A_112 = arith.constant 0 : index
    %swap3A_113 = arith.constant 0 : index
    %swap3A_114 = vector.load %arg2[%swap3A, %swap3A_112, %swap3A_113] : memref<1x5776x255xf32, #tpu.memory_space<vmem>>, vector<1x5776x255xf32>
    %swap3A_115 = vector.shape_cast %swap3A_114 : vector<1x5776x255xf32> to vector<5776x255xf32>
    %swap3A_116 = vector.shape_cast %transpose3A : vector<5776x255xf32> to vector<1x5776x255xf32>
    tpu.vector_store %arg2[%swap3A, %swap3A_112, %swap3A_113], %swap3A_116 {strides = array<i32>} : memref<1x5776x255xf32, #tpu.memory_space<vmem>>, vector<1x5776x255xf32>,
    return
  }
  func.func @transform_0(%arg0: i32) -> (i32, i32, i32) {
    %c0_i32 = arith.constant 0 : i32
    %c0_i32_0 = arith.constant 0 : i32
    %c0_i32_1 = arith.constant 0 : i32
    return %arg0, %c0_i32, %c0_i32_0 : i32, i32, i32
  }
  func.func @transform_1(%arg0: i32) -> (i32, i32, i32) {
    %c0_i32 = arith.constant 0 : i32
    %c0_i32_0 = arith.constant 0 : i32
    %c0_i32_1 = arith.constant 0 : i32
    return %arg0, %c0_i32, %c0_i32_0 : i32, i32, i32
  }
}

</mosaic_0001>

<sc_bundles>
// kernel: sparse-core-data-format-call.cloned.1.call-start
scs
called_computation_lowered:
.L_overlay_start_0:
0x0: {  	s2 =	sld [smem:$0x3FD9]  }
0x1: {  	s3 =	sld [smem:$0x3FFE];
	_ =	sdelay $0x1  }
0x2: {  	s1 =	srdreg.scid  }
0x3: {  	s0 =	sand.u32 $0x1, s1  }
0x4: {  	s15 =	sshll.u32 s0, $0xA;
	s2 =	sadd.s32 s3, s2  }
0x5: {  	s2 =	sadd.s32 s2, s15  }
0x6: {  	[smem:$0x3FC7] =	sst s2  }
0x7: {  	_ = 	snop  }
0x8: {  	s2 =	sld [smem:$0x3FD0];
	_ =	sdelay $0x2  }
0x9: {  	s16 =	simm.s32 $0xA;
	s4 =	simm.s32 $0x10  }
0xa: {  	[smem:s4], [sflag:s16] =	dma.local [hbm:s2], $0x1  }
0xb: {  	_ =	swait.eq [sflag:s16], $0x1  }
0xc: {  	[sflag:s16] =	ssyncset.done $0x0  }
0xd: {  	[sflag:s16] =	ssyncadd.s32 $0xFFFFFFFF  }
0xe: {  	s17 =	sld [smem:$0x10];
	(tm) =	ssettm $0x1  }
0xf: {  	s18 =	sld [smem:$0x3FFB];
	_ =	sdelay $0x3  }
0x10: {  	_ =	strace s18  }
0x11: {  	s3 =	sld [smem:$0x3FFC];
	_ =	sdelay $0x3  }
0x12: {  	_ =	strace s3  }
0x13: {  	s3 =	sld [smem:$0x3FFD];
	_ =	sdelay $0x3  }
0x14: {  	_ =	strace s3  }
0x15: {  	_ =	strace $0x8FFFFFFF  }
0x16: {  	s19 =	sld [smem:$0x3FDB];
	_ =	sdelay $0x1  }
0x17: {  	s20 =	simm.s32 $_scs_section_size  }
0x18: {  	s5 =	simm.s32 $_size__tile_overlayer_lowered;
	s6 =	simm.s32 $_tile_overlayer_lowered  }
0x19: {  	s23 =	simm.s32 $0x1BFF;
	s22 =	sshll.u32 s6, $0x1;
	s3 =	sadd.s32 s20, s19  }
0x1a: {  	s7 =	simm.s32 $0x0;
	s21 =	sshll.u32 s5, $0x1;
	s5 =	sadd.s32 s22, s3  }
0x1b: {  	[timem:s7], [sflag:s23] =	dma.local [hbm:s5], s21  }
0x1c: {  	_ =	swait.ge [sflag:s23], s21  }
0x1d: {  	s4 =	ssub.s32 $0x0, s21;
	[sflag:s23] =	ssyncset.done $0x0  }
0x1e: {  	[sflag:s23] =	ssyncadd.s32 s4;
	_ =	sdelay $0x1  }
0x1f: {  	s24 =	simm.s32 $0x1B8B  }
0x20: {  	_ =	swait.ge [sflag:s24], $0x1  }
0x21: {  	[sflag:s24] =	ssyncset.done $0x0  }
0x22: {  	s26 =	simm.s32 $0x1B8E;
	s25 =	sld [smem:$0x3FFE];
	[sflag:s24] =	ssyncadd.s32 $0xFFFFFFFF  }
0x23: {  	s27 =	simm.s32 $execute0_lowered;
	[smem:$0x3FD2] =	sst s26  }
0x24: {  	s5 =	sshll.u32 s27, $0x1;
	_ =	strace $0x80000046;
	[dreg:$0x1] =	wrdreg $0xFFFFFFFF  }
0x25: {  	s28 =	simm.s32 $_size_execute0_lowered;
	s3 =	sadd.s32 s3, s5;
	[dreg:$0x0] =	wrdreg $0x0  }
0x26: {  	s5 =	sshll.u32 s28, $0x1;
	[dreg:$0x2] =	wrdreg s3  }
0x27: {  	[dreg:$0x3] =	wrdreg s5  }
0x28: {  	[dreg:$0x4] =	wrdreg $0xC0  }
0x29: {  	_ =	task [dreg:s7], $0x5FFFF  }
0x2a: {  	[dreg:$0x1] =	wrdreg $0xFFFFFFFF  }
0x2b: {  	[dreg:$0x0] =	wrdreg $0x60  }
0x2c: {  	[dreg:$0x2] =	wrdreg s25  }
0x2d: {  	[dreg:$0x3] =	wrdreg s17  }
0x2e: {  	[dreg:$0x4] =	wrdreg $0x9  }
0x2f: {  	_ =	task.clear_ibuf [dreg:s7], $0x5FFFF;
	_ =	strace $0x90000046  }
0x30: {  	s29 =	simm.s32 $0x9;
	_ =	strace $0x80000048  }
0x31: {  	_ =	swait.ge [sflag:s29], $0x1  }
0x32: {  	[sflag:s29] =	ssyncadd.s32 $0xFFFFFFFF  }
0x33: {  	_ =	strace $0x90000048  }
0x34: {  	_ =	sfence  }
0x35: {  	s30 =	sld [smem:$0x0];
	_ =	sdelay $0x2  }
0x36: {  	s31 =	sshll.u32 s1, $0xD;
	s1 =	sshrl.u32 s1, $0x2  }
0x37: {  	s3 =	sand.u32 $0x4000, s31;
	s1 =	sadd.s32 s1, s30  }
0x38: {  	s0 =	sor.u32 s3, s0;
	s1 =	sshll.u32 s1, $0x11  }
0x39: {  	s0 =	sor.u32 s1, s0  }
0x3a: {  	s0 =	sadd.s32 $0x8F2B, s0  }
0x3b: {  	[sflag:s0] =	ssyncadd.remote.s32 $0x1  }
0x3c: {  	_ =	sfence.sel $0xFFFF  }
0x3d: {  	[dreg:$0x0] =	wrdreg $0xFFFFFFFF;
	(pc) =	sbr.abs _section_cstart, $3  }
0x3e: {  	[dreg:$0x1] =	wrdreg $0xFFFFFFFF  }
0x3f: {  	_ =	task.clear_ibuf [dreg:s7], $0x2FFFF;
	_ =	strace $0x9FFFFFFF  }
0x40: {  	(tm) =	ssettm $0x7FFFFFFF  }
0x41: {  	_ =	shalt  }
tec
execute0_lowered:
.L_overlay_start_1:
0x0: {  	(tag) =	ssettag $0x1  }
0x1: {  	s0 =	rddreg [dreg:$0x0];
	_ =	strace $0x80000047;
	s31 =	srdreg.scid  }
0x2: {  	s2 =	stileid.u32;
	s4 =	simm.s32 $0x1;
	s1 =	simm.s32 $0x2  }
.Ltmp0:
0x3: {  	s12 =	simm.s32 $0x0;
	s13 =	simm.s32 $0x0;
	(pc) =	sbr.rel .LBB1_1-.Ltmp0, $4  }
0x4: {  	s8 =	simm.s32 $0x0;
	s3 =	sadd.s32 $0x400, s0;
	s0 =	sshll.u32 s31, $0x4  }
0x5: {  	s10 =	simm.s32 $0x0;
	s9 =	simm.s32 $0x0;
	s0 =	sand.u32 $0x10, s0  }
0x6: {  	s7 =	simm.s32 $0x0;
	[sflag:s4] =	ssyncpa.u1 $0x0;
	s5 =	sor.u32 s2, s0  }
0x7: {  	s21 =	simm.s32 $0x0;
	[sflag:s1] =	ssyncpa.u1 $0x0;
	s11 =	smov.u32 s5  }
.LBB1_11:
0x8: {  	s0 =	sshrl.u32 s10, $0x3;
	s1 =	sshll.u32 s8, $0x3  }
0x9: {  	s2 =	sshll.u32 s10, $0x7;
	s6 =	sand.u32 $0x7F, s8;
	s0 =	smul.u32 $0x22000, s0  }
0xa: {  	p0 =	sgt.s32 s8, $0x4380;
	s1 =	sand.u32 $0xFFFFFC00, s1;
	s2 =	sand.u32 $0x380, s2  }
0xb: {  	s27 =	sor.u32 s6, s2;
	s2 =	smov.u32 s8;
	s0 =	sadd.s32 s0, s1  }
0xc: {  	s2 =	simm.s32 @!p0 $0x4380;
	s1 =	sor.u32 s0, s27  }
0xd: {  	s2 =	sadd.s32 s15, s2;
	s28 =	smulhi.u32 $0xF0F0F0F1, s1  }
0xe: {  	s0 =	smulhi.u32 $0xF0F0F0F1, s0;
	s15 =	sadd.s32 $0xFFFFBC80, s2  }
0xf: {  	s2 =	ssub.s32 $0x4400, s2;
	p0 =	sgt.s32 s15, $0x7F;
	s6 =	sshrl.u32 s28, $0xE  }
0x10: {  	s0 =	sshrl.u32 s0, $0xE;
	s2 =	simm.s32 @p0 $0x0;
	s6 =	smul.u32 $0x4400, s6  }
0x11: {  	s29 =	rddreg [dreg:$0x1];
	s0 =	sand.u32 $0x1F, s0;
	s2 =	smul.u32 s2, s14  }
0x12: {  	s30 =	sor.u32 $0x8000, s16;
	s0 =	smul.u32 $0x880, s0;
	s1 =	ssub.s32 s1, s6  }
0x13: {  	s2 =	smul.u32 $0x55, s2;
	s6 =	sshrl.u32 s1, $0x3;
	s1 =	sand.u32 $0x7, s1  }
0x14: {  	s31 =	simm.s32 $0x88000;
	s6 =	sadd.s32 s29, s6;
	s1 =	sshll.u32 s1, $0x12  }
0x15: {  	s2 =	sand.u32 $0x3FFFFFFF, s2;
	s0 =	sadd.s32 s0, s6;
	s1 =	sor.u32 $0x80, s1  }
0x16: {  	[hbm4b:s0+s1] =	stream.strided.scatter [tilespmem:s30], [sflag:$0x2], s2, s31, s1, $0x20;
	[tilespmem:$0x10100] =	vst v63  }
.LBB1_12:
0x17: {  	p0 =	slt.u32 s7, $0x2  }
0x18: {  	s1 =	smov.u32 s13;
	s2 =	smov.u32 s12;
	p1 =	sgt.s32 @!p0 s13, $0x1F  }
0x19: {  	s0 =	sshra.s32 @!p0 s13, $0x1F;
	p2 =	sgt.s32 @!p0 s12, $0x4380;
	s6 =	sshra.s32 @!p0 s12, $0x1F  }
0x1a: {  	p1 =	por !p1, p0;
	s0 =	sand.u32 @!p0 s0, s13;
	p2 =	por !p2, p0  }
0x1b: {  	s6 =	sand.u32 @!p0 s6, s12;
	s1 =	simm.s32 @p1 $0x1F;
	s2 =	simm.s32 @p2 $0x4380  }
0x1c: {  	s0 =	ssub.s32 @!p0 s1, s0;
	s1 =	ssub.s32 @!p0 s2, s6  }
0x1d: {  	s2 =	sadd.s32 @!p0 $0xFFFFFFE1, s0;
	s0 =	ssub.s32 @!p0 $0x20, s0;
	s6 =	sadd.s32 @!p0 $0xFFFFBC80, s1  }
0x1e: {  	p1 =	sgt.s32 @!p0 s2, $0x0;
	s0 =	smul.u32 @!p0 $0x55, s0;
	p2 =	sgt.s32 @!p0 s6, $0x7F  }
0x1f: {  	s1 =	ssub.s32 @!p0 $0x4400, s1;
	p1 =	por !p1, p0;
	p2 =	por !p2, p0  }
0x20: {  	s0 =	simm.s32 @!p1 $0x0;
	s1 =	simm.s32 @!p2 $0x0  }
0x21: {  	s0 =	smul.u32 @!p0 s1, s0;
	s1 =	sadd.s32 $0x80, s9  }
0x22: {  	s14 =	smov.u32 s11;
	s6 =	sadd.s32 $0x20, s11;
	p1 =	sgt.s32 s1, $0x43AF  }
0x23: {  	s14 =	smov.u32 @p1 s6  }
0x24: {  	s7 =	sadd.s32 $0x1, s7;
	s1 =	simm.s32 @p1 $0x0;
	p1 =	sgt.s32 s14, $0x1F  }
0x25: {  	s14 =	smov.u32 @p1 s5;
	p1 =	sne.s32 s7, $0x8A  }
.Ltmp1:
0x26: {  	_ = 	snop;
	(pc) =	sbr.rel @!p1 .LBB1_13-.Ltmp1, $4  }
0x27: {  	s12 =	smov.u32 s8;
	s2 =	simm.s32 @!p0 $0x2;
	s0 =	sand.u32 @!p0 $0x3FFFFFFF, s0  }
0x28: {  	s13 =	smov.u32 s10;
	s8 =	smov.u32 s9;
	_ =	swait.ge @!p0 [sflag:s2], s0  }
0x29: {  	s10 =	smov.u32 s11;
	s0 =	ssub.s32 @!p0 $0x0, s0;
	[sflag:s2] =	ssyncset.done @!p0 $0x0  }
0x2a: {  	s9 =	smov.u32 s1;
	[sflag:s2] =	ssyncadd.s32 @!p0 s0;
	s11 =	smov.u32 s14  }
.LBB1_1:
0x2b: {  	p0 =	sgt.u32 s7, $0x87;
	s1 =	smov.u32 s11  }
0x2c: {  	s15 =	smov.u32 s9;
	p1 =	sgt.s32 @!p0 s11, $0x1F;
	s0 =	sand.u32 @!p0 $0x1FFFFFF, s9  }
0x2d: {  	s14 =	sshra.s32 @!p0 s11, $0x1F;
	s16 =	sshra.s32 @!p0 s9, $0x1F;
	p1 =	por !p1, p0  }
0x2e: {  	s2 =	smulhi.u32 @!p0 $0x7906DB, s0;
	s1 =	simm.s32 @p1 $0x1F;
	p1 =	sgt.s32 @!p0 s9, $0x4330  }
0x2f: {  	s14 =	sand.u32 @!p0 s14, s11;
	s16 =	sand.u32 @!p0 s16, s9;
	p1 =	por !p1, p0  }
0x30: {  	s1 =	ssub.s32 @!p0 s1, s14;
	s2 =	sshrl.u32 @!p0 s2, $0x5;
	s15 =	simm.s32 @p1 $0x4330  }
0x31: {  	s1 =	sadd.s32 @!p0 $0xFFFFFFE1, s1;
	s2 =	smul.u32 @!p0 $0x43B0, s2;
	s14 =	ssub.s32 @!p0 s15, s16  }
0x32: {  	p1 =	sgt.s32 @!p0 s1, $0x0;
	s1 =	sshll.u32 @!p0 s1, $0x7;
	s15 =	sadd.s32 @!p0 $0xFFFFBCD0, s14  }
0x33: {  	s16 =	smul.u32 @!p0 $0x43B00, s11;
	s14 =	ssub.s32 @!p0 $0x43B0, s14;
	p2 =	sgt.s32 @!p0 s15, $0x7F  }
0x34: {  	s1 =	ssub.s32 @!p0 $0x80, s1;
	p1 =	por !p1, p0;
	p2 =	por !p2, p0  }
0x35: {  	s15 =	sxor.u32 @!p0 $0xFFFFFFFF, s7;
	s1 =	simm.s32 @!p1 $0x0;
	s14 =	simm.s32 @!p2 $0x0  }
0x36: {  	s0 =	ssub.s32 @!p0 s0, s2;
	s2 =	sshll.u32 @!p0 s15, $0xE;
	s1 =	smul.u32 @!p0 s14, s1  }
0x37: {  	s0 =	sshll.u32 @!p0 s0, $0x4;
	s2 =	sand.u32 @!p0 $0x4000, s2;
	s14 =	sadd.s32 @!p0 s3, s16  }
0x38: {  	s0 =	sadd.s32 @!p0 s0, s14;
	s14 =	simm.s32 @!p0 $0x0;
	s1 =	sand.u32 @!p0 $0x3FFFFF80, s1  }
0x39: {  	[tilespmem:s2], [sflag:$0x1] =	stream.linear.gather @!p0 [hbm4b:s0+s14], s1, $0x38;
	[tilespmem:$0x10100] =	vst v63  }
0x3a: {  	p0 =	seq.s32 s7, $0x0  }
0x3b: {  	p1 =	seq.s32 @!p0 s7, $0x89  }
0x3c: {  	p0 =	por p0, p1  }
.Ltmp2:
0x3d: {  	_ = 	snop;
	(pc) =	sbr.rel @p0 .LBB1_12-.Ltmp2, $1  }
0x3e: {  	_ =	sdelay $0x3  }
0x3f: {  	p0 =	sgt.s32 s10, $0x1F  }
0x40: {  	s0 =	smov.u32 s10;
	s1 =	sshra.s32 s10, $0x1F;
	s2 =	ssub.s32 $0x0, s8  }
0x41: {  	s14 =	sshra.s32 s8, $0x1F;
	s0 =	simm.s32 @!p0 $0x1F;
	s1 =	sand.u32 s1, s10  }
0x42: {  	s16 =	smov.u32 s8;
	p0 =	sgt.s32 s8, $0x4330;
	s0 =	ssub.s32 s0, s1  }
0x43: {  	s15 =	sand.u32 s2, s14;
	s16 =	simm.s32 @!p0 $0x4330;
	s1 =	sadd.s32 $0xFFFFFFE1, s0  }
0x44: {  	s2 =	sadd.s32 s15, s16;
	s14 =	ssub.s32 $0x20, s0;
	p0 =	sgt.s32 s1, $0x0  }
0x45: {  	s30 =	sadd.s32 $0xFFFFBCD0, s2;
	s0 =	ssub.s32 $0x43B0, s2;
	s1 =	sadd.s32 $0x1, s10  }
0x46: {  	s2 =	sadd.s32 $0x80, s8;
	s14 =	simm.s32 @p0 $0x0;
	p0 =	slt.s32 s1, $0x20  }
0x47: {  	s1 =	simm.s32 @!p0 $0x20;
	p0 =	slt.s32 s2, $0x43B0  }
0x48: {  	p1 =	sgt.s32 s30, $0x7F;
	s17 =	ssub.s32 s1, s10;
	s2 =	simm.s32 @!p0 $0x43B0  }
0x49: {  	s0 =	simm.s32 @p1 $0x0;
	s18 =	ssub.s32 s2, s8;
	p0 =	slt.s32 s17, $0x1  }
0x4a: {  	s0 =	smul.u32 s0, s14;
	p1 =	slt.s32 @!p0 s18, $0x1  }
0x4b: {  	p1 =	por p0, p1  }
.Ltmp3:
0x4c: {  	s0 =	sshll.u32 s0, $0x7;
	(pc) =	sbr.rel @p1 .LBB1_11-.Ltmp3, $4  }
0x4d: {  	s31 =	sand.u32 $0x3FFFFF80, s0  }
0x4e: {  	_ =	swait.ge [sflag:s4], s31  }
0x4f: {  	s0 =	sand.u32 $0x1, s7;
	s1 =	ssub.s32 $0x0, s31;
	[sflag:s4] =	ssyncset.done $0x0  }
0x50: {  	s16 =	smul.u32 $0x4080, s0;
	[sflag:s4] =	ssyncadd.s32 s1  }
0x51: {  	_ = 	snop  }
0x52: {  	s19 =	sshll.u32 @!p0 s0, $0xE;
	s22 =	simm.s32 $0x0;
	s20 =	sor.u32 @!p0 $0x8000, s16  }
.LBB1_4:
0x53: {  	s0 =	sshll.u32 s22, $0x10  }
0x54: {  	s0 =	sshra.s32 s0, $0x2  }
0x55: {  	s0 =	sadd.s32 s0, s19  }
0x56: {  	v0 =	vmov s0;
	_ =	sdelay $0x2  }
0x57: {  	s30 =	sand.u32 $0x7, s22  }
0x58: {  	s31 =	sand.u32 $0x3F80, s21;
	p1 =	sne.s32 s18, $0x1;
	s0 =	smul.u32 $0x204, s30  }
.Ltmp4:
0x59: {  	v11 =	vld.idx.msk [tilespmem:v0+s31+$0x0 ss:$0x1], $0xffff;
	(pc) =	sbr.rel @!p1 .LBB1_5-.Ltmp4, $4  }
0x5a: {  	s1 =	simm.s32 $0x1;
	s0 =	sshrl.u32 s0, $0x2;
	v8 =	vld.idx.msk [tilespmem:v0+s31+$0x10 ss:$0x1], $0xffff  }
0x5b: {  	s2 =	simm.s32 $0x80;
	p0 =	por $0x0, $0x0;
	s28 =	sadd.s32 s0, s20;
	v9 =	vld.idx.msk [tilespmem:v0+s31+$0x20 ss:$0x1], $0xffff  }
0x5c: {  	s0 =	sand.u32 $0x7F, s21;
	s26 =	sadd.s32 $0x810, s28;
	s27 =	sadd.s32 $0x1020, s28;
	v10 =	vld.idx.msk [tilespmem:v0+s31+$0x30 ss:$0x1], $0xffff  }
0x5d: {  	s25 =	sadd.s32 $0x1830, s28;
	s24 =	sadd.s32 $0x2040, s28;
	s23 =	sadd.s32 $0x2850, s28;
	v7 =	vld.idx.msk [tilespmem:v0+s31+$0x40 ss:$0x1], $0xffff  }
0x5e: {  	_ =	sdelay $0x3  }
0x5f: {  	s30 =	sand.u32 $0x3F80, s2;
	s6 =	sadd.s32 s0, s28;
	v1 =	vld.idx.msk [tilespmem:v0+s31+$0x50 ss:$0x1], $0xffff;
	p1 =	sne.s32 s18, $0x2  }
.Ltmp5:
0x60: {  	v2 =	vld.idx.msk [tilespmem:v0+s30+$0x0 ss:$0x1], $0xffff;
	[tilespmem:s6+$0x0 ss:$0x81] =	vst.msk $0xffff, v11;
	s6 =	sadd.s32 s0, s26;
	(pc) =	sbr.rel @!p1 .LBB1_7-.Ltmp5, $4  }
0x61: {  	v3 =	vld.idx.msk [tilespmem:v0+s30+$0x10 ss:$0x1], $0xffff;
	[tilespmem:s6+$0x0 ss:$0x81] =	vst.msk $0xffff, v8;
	s6 =	sadd.s32 s0, s27  }
0x62: {  	v4 =	vld.idx.msk [tilespmem:v0+s30+$0x20 ss:$0x1], $0xffff;
	[tilespmem:s6+$0x0 ss:$0x81] =	vst.msk $0xffff, v9;
	s6 =	sadd.s32 s0, s25  }
0x63: {  	s31 =	simm.s32 $0x2;
	s29 =	sand.u32 $0x7F, s1;
	v5 =	vld.idx.msk [tilespmem:v0+s30+$0x30 ss:$0x1], $0xffff;
	[tilespmem:s6+$0x0 ss:$0x81] =	vst.msk $0xffff, v10;
	s6 =	sadd.s32 s0, s24  }
0x64: {  	s1 =	simm.s32 $0x100;
	s2 =	sadd.s32 s0, s23;
	p0 =	por $0x1, $0x1;
	v6 =	vld.idx.msk [tilespmem:v0+s30+$0x40 ss:$0x1], $0xffff;
	[tilespmem:s6+$0x0 ss:$0x81] =	vst.msk $0xffff, v7  }
.LBB1_8:
0x65: {  	s6 =	smov.u32 s31;
	s31 =	sadd.s32 $0x1, s31  }
0x66: {  	s0 =	sadd.s32 s29, s28;
	[tilespmem:s2+$0x0 ss:$0x81] =	vst.msk $0xffff, v1;
	v1 =	vld.idx.msk [tilespmem:v0+s30+$0x50 ss:$0x1], $0xffff;
	s30 =	sand.u32 $0x3F80, s1;
	p1 =	sne.s32 s18, s31  }
.Ltmp6:
0x67: {  	[tilespmem:s0+$0x0 ss:$0x81] =	vst.msk $0xffff, v2;
	v2 =	vld.idx.msk [tilespmem:v0+s30+$0x0 ss:$0x1], $0xffff;
	s0 =	sadd.s32 s29, s26;
	(pc) =	sbr.rel @p1 .LBB1_8-.Ltmp6, $4  }
0x68: {  	[tilespmem:s0+$0x0 ss:$0x81] =	vst.msk $0xffff, v3;
	v3 =	vld.idx.msk [tilespmem:v0+s30+$0x10 ss:$0x1], $0xffff;
	s0 =	sadd.s32 s29, s27  }
0x69: {  	[tilespmem:s0+$0x0 ss:$0x81] =	vst.msk $0xffff, v4;
	v4 =	vld.idx.msk [tilespmem:v0+s30+$0x20 ss:$0x1], $0xffff;
	s0 =	sadd.s32 s29, s25  }
0x6a: {  	[tilespmem:s0+$0x0 ss:$0x81] =	vst.msk $0xffff, v5;
	v5 =	vld.idx.msk [tilespmem:v0+s30+$0x30 ss:$0x1], $0xffff;
	s0 =	sadd.s32 s29, s24  }
0x6b: {  	s1 =	sadd.s32 $0x80, s1;
	s2 =	sadd.s32 s29, s23;
	s29 =	sand.u32 $0x7F, s6;
	[tilespmem:s0+$0x0 ss:$0x81] =	vst.msk $0xffff, v6;
	v6 =	vld.idx.msk [tilespmem:v0+s30+$0x40 ss:$0x1], $0xffff  }
0x6c: {  	_ =	sdelay $0x3  }
0x6d: {  	s0 =	smov.u32 s29;
	s31 =	smov.u32 s30;
	v11 =	vmovc v2;
	v8 =	vmovc v3;
	v9 =	vmov v4;
	v10 =	vmov v5;
	v7 =	vmov v6  }
.LBB1_10:
0x6e: {  	_ =	sdelay $0x2  }
0x6f: {  	s1 =	sadd.s32 s0, s28;
	[tilespmem:s2+$0x0 ss:$0x81] =	vst.msk @p0 $0xffff, v1;
	s22 =	sadd.s32 $0x1, s22  }
0x70: {  	v0 =	vld.idx.msk [tilespmem:v0+s31+$0x50 ss:$0x1], $0xffff;
	s26 =	sadd.s32 s0, s26;
	[tilespmem:s1+$0x0 ss:$0x81] =	vst.msk $0xffff, v11;
	p0 =	sne.s32 s22, s17  }
.Ltmp7:
0x71: {  	s28 =	sadd.s32 s0, s27;
	[tilespmem:s26+$0x0 ss:$0x81] =	vst.msk $0xffff, v8;
	(pc) =	sbr.rel @p0 .LBB1_4-.Ltmp7, $4  }
.Ltmp8:
0x72: {  	s29 =	sadd.s32 s0, s25;
	[tilespmem:s28+$0x0 ss:$0x81] =	vst.msk $0xffff, v9;
	(pc) =	sbr.rel @!p0 .LBB1_11-.Ltmp8, $4  }
0x73: {  	s30 =	sadd.s32 s0, s24;
	[tilespmem:s29+$0x0 ss:$0x81] =	vst.msk $0xffff, v10  }
0x74: {  	s31 =	sadd.s32 s0, s23;
	[tilespmem:s30+$0x0 ss:$0x81] =	vst.msk $0xffff, v7  }
0x75: {  	[tilespmem:s31+$0x0 ss:$0x81] =	vst.msk $0xffff, v0  }
0x76: {  	_ = 	snop  }
.LBB1_5:
.Ltmp9:
0x77: {  	(pc) =	sbr.rel .LBB1_10-.Ltmp9, $2  }
0x78: {  	_ =	sdelay $0x2  }
0x79: {  	_ = 	snop  }
.LBB1_7:
.Ltmp10:
0x7a: {  	_ = 	snop;
	(pc) =	sbr.rel .LBB1_10-.Ltmp10, $2  }
0x7b: {  	_ =	sdelay $0x2  }
0x7c: {  	s0 =	smov.u32 s29;
	s31 =	smov.u32 s30;
	v11 =	vmovc v2;
	v8 =	vmovc v3;
	v9 =	vmov v4;
	v10 =	vmov v5;
	v7 =	vmov v6  }
.LBB1_13:
0x7d: {  	_ =	sfence.sel $0x180000  }
0x7e: {  	s0 =	simm.s32 $0x1;
	[bflag:$0x0] =	sbarrier.arrive $0xFFFF  }
0x7f: {  	s30 =	simm.s32 $0x2;
	[sflag:s0] =	ssyncpa.u1 $0x1  }
0x80: {  	[sflag:s30] =	ssyncpa.u1 $0x1  }
0x81: {  	_ =	strace $0x90000047  }
0x82: {  	s31 =	stileid.u32;
	[bflag:$0x2] =	sbarrier.arrive $0xFFFF  }
0x83: {  	p0 =	sne.s32 s31, $0x0;
	s0 =	rddreg [dreg:$0x2]  }
0x84: {  	s0 =	sadd.s32 @!p0 $0x100000, s0  }
0x85: {  	[sflag:s0] =	ssyncadd.tile.s32 @!p0 $0x1;
	_ =	shalt  }
.Lfunc_end1:
_tile_overlayer_lowered:
.L_overlay_start_2:
0x86: {  	(tag) =	ssettag $0x2  }
0x87: {  	s0 =	rddreg [dreg:$0x0];
	s2 =	stileid.u32  }
0x88: {  	s1 =	rddreg [dreg:$0x1];
	p0 =	sne.s32 s2, $0x0  }
0x89: {  	s3 =	rddreg [dreg:$0x2];
	[bflag:$0x3] =	sbarrier.arrive $0xFFFF;
	s2 =	simm.s32 @!p0 $0x1C01  }
0x8a: {  	[timem:s3], [sflag:s2] =	dma.local @!p0 [hbm:s0], s1  }
0x8b: {  	s0 =	simm.s32 @!p0 $0x1  }
0x8c: {  	_ =	swait.ge @!p0 [sflag:s0], s1  }
0x8d: {  	s1 =	ssub.s32 @!p0 $0x0, s1;
	[sflag:s0] =	ssyncset.done @!p0 $0x0  }
0x8e: {  	[sflag:s0] =	ssyncadd.s32 @!p0 s1  }
0x8f: {  	[bflag:$0x3] =	sbarrier.arrive $0xFFFF  }
0x90: {  	_ =	shalt  }

</sc_bundles>
